<compile_context>
chip_gen: v7x
topology: tpu7x:2x2x1
jax: 0.10.2.dev20260603
libtpu: 0.0.44.dev20260713+nightly
codegen_flags: <defaults>
</compile_context>

<pallas_src>
import jax
import jax.numpy as jnp
from jax import lax
from jax.experimental import pallas as pl
from jax.experimental.pallas import tpu as pltpu
from jax.experimental.pallas import tpu_sc as plsc

_NC = 2
_NS = 16
_NW = _NC * _NS


def kernel(X, table):
    B, H = X.shape
    V, D = table.shape
    cols_per_w = B // _NW
    assert B % _NW == 0 and H % 2 == 0

    Xt = X.astype(jnp.int32).T

    mesh = plsc.VectorSubcoreMesh(core_axis_name="c", subcore_axis_name="s")

    @pl.kernel(
        out_type=jax.ShapeDtypeStruct((H, B, D), table.dtype),
        mesh=mesh,
        scratch_types=[
            pltpu.VMEM((H, cols_per_w), jnp.int32),
            pltpu.VMEM((cols_per_w, D), table.dtype),
            pltpu.VMEM((cols_per_w, D), table.dtype),
            pltpu.VMEM((cols_per_w, D), table.dtype),
            pltpu.VMEM((cols_per_w, D), table.dtype),
            pltpu.SemaphoreType.DMA,
            pltpu.SemaphoreType.DMA,
            pltpu.SemaphoreType.DMA,
            pltpu.SemaphoreType.DMA,
            pltpu.SemaphoreType.DMA,
            pltpu.SemaphoreType.DMA,
            pltpu.SemaphoreType.DMA,
            pltpu.SemaphoreType.DMA,
        ],
    )
    def gather_kernel(tab_hbm, idx_hbm, out_hbm,
                      idx_v, b0, b1, b2, b3,
                      g0, g1, g2, g3, o0, o1, o2, o3):
        bufs = (b0, b1, b2, b3)
        gsems = (g0, g1, g2, g3)
        osems = (o0, o1, o2, o3)
        wid = lax.axis_index("c") * _NS + lax.axis_index("s")
        colbase = wid * cols_per_w

        pltpu.sync_copy(
            idx_hbm.at[:, pl.ds(colbase, cols_per_w)], idx_v)

        def fire_gather(h, buf, sem):
            pltpu.async_copy(tab_hbm.at[idx_v.at[h]], buf, sem)

        def wait_gather(buf, sem):
            pltpu.make_async_copy(
                tab_hbm.at[pl.ds(0, cols_per_w)], buf, sem).wait()

        def fire_out(h, buf, sem):
            pltpu.async_copy(
                buf, out_hbm.at[h, pl.ds(colbase, cols_per_w)], sem)

        def wait_out(h, buf, sem):
            pltpu.make_async_copy(
                buf, out_hbm.at[h, pl.ds(colbase, cols_per_w)], sem).wait()

        for i in range(4):
            fire_gather(i, bufs[i], gsems[i])

        @pl.loop(0, H - 2, step=4)
        def _(h0):
            for i in range(4):
                h = h0 + i
                wait_gather(bufs[i], gsems[i])
                fire_out(h, bufs[i], osems[i])
                prev = (i - 1) % 4

                @pl.when((h >= 1) & (h + 3 < H))
                def _():
                    wait_out(h - 1, bufs[prev], osems[prev])
                    fire_gather(h + 3, bufs[prev], gsems[prev])

        wait_gather(bufs[0], gsems[0])
        fire_out(H - 2, bufs[0], osems[0])
        wait_out(H - 4, bufs[2], osems[2])
        wait_out(H - 3, bufs[3], osems[3])
        wait_gather(bufs[1], gsems[1])
        fire_out(H - 1, bufs[1], osems[1])
        wait_out(H - 2, bufs[0], osems[0])
        wait_out(H - 1, bufs[1], osems[1])

    out_t = gather_kernel(table, Xt)
    return jnp.transpose(out_t, (1, 0, 2))

# --- scband reference (transcript-rebuilt; emitter-appended) ---
"""Pipeline reference for scband-embedding-62311385530376 (READ-ONLY COPY).

The authoritative reference and input builder live on the scoring server;
editing this copy changes nothing except your own understanding.
"""

import jax, jax.numpy as jnp
import numpy as np

VOCAB_SIZE = 100000
EMBED_DIM = 128
BATCH = 4096
HIST = 50

def setup_inputs(seed: int = 0) -> dict:
    key = jax.random.key(seed)
    k_idx, k_tab = jax.random.split(key)
    X = jax.random.randint(k_idx, (BATCH, HIST), 0, VOCAB_SIZE, dtype=jnp.int64 if jax.config.jax_enable_x64 else jnp.int32)
    table = jax.random.normal(k_tab, (VOCAB_SIZE, EMBED_DIM), dtype=jnp.float32)
    return {"X": X, "table": table}

def reference(X, table):
    # nn.Embedding forward: gather rows of the embedding table by index
    out = jnp.take(table, X, axis=0)  # [BATCH, HIST, EMBED_DIM]
    return out

if __name__ == "__main__":
    import jax
    _d = setup_inputs()
    print(jax.jit(kernel)(*tuple(_d.values())))

</pallas_src>

<mosaic_0001>
#map = affine_map<(d0, d1) -> (0, 0)>
#map1 = affine_map<(d0, d1) -> (0, 0, 0)>
module attributes {stable_mosaic.version = 14 : i64} {
  func.func @gather_kernel(%arg0: i32, %arg1: i32, %arg2: memref<100000x128xf32, #tpu.memory_space<hbm>>, %arg3: memref<50x4096xi32, #tpu.memory_space<hbm>>, %arg4: memref<50x4096x128xf32, #tpu.memory_space<hbm>>, %arg5: memref<50x128xi32, #tpu.memory_space<vmem>>, %arg6: memref<128x128xf32, #tpu.memory_space<vmem>>, %arg7: memref<128x128xf32, #tpu.memory_space<vmem>>, %arg8: memref<128x128xf32, #tpu.memory_space<vmem>>, %arg9: memref<128x128xf32, #tpu.memory_space<vmem>>, %arg10: memref<!tpu.dma_semaphore, #tpu.memory_space<semaphore_mem>>, %arg11: memref<!tpu.dma_semaphore, #tpu.memory_space<semaphore_mem>>, %arg12: memref<!tpu.dma_semaphore, #tpu.memory_space<semaphore_mem>>, %arg13: memref<!tpu.dma_semaphore, #tpu.memory_space<semaphore_mem>>, %arg14: memref<!tpu.dma_semaphore, #tpu.memory_space<semaphore_mem>>, %arg15: memref<!tpu.dma_semaphore, #tpu.memory_space<semaphore_mem>>, %arg16: memref<!tpu.dma_semaphore, #tpu.memory_space<semaphore_mem>>, %arg17: memref<!tpu.dma_semaphore, #tpu.memory_space<semaphore_mem>>) attributes {dimension_semantics = [#tpu.dimension_semantics<core_parallel>, #tpu.dimension_semantics<subcore_parallel>], iteration_bounds = array<i64: 2, 16>, scalar_prefetch = 0 : i64, scratch_operands = 13 : i64, tpu.core_type = #tpu.core_type<sc_vector_subcore>, window_params = [{transform_indices = #map}, {transform_indices = #map}, {transform_indices = #map1}]} {
    %mul3A = arith.constant 16 : i32
    %mul3A_0 = arith.muli %arg0, %mul3A : i32
    %add3A = arith.addi %mul3A_0, %arg1 : i32
    %mul3A_1 = arith.constant 128 : i32
    %mul3A_2 = arith.muli %add3A, %mul3A_1 : i32
    "tpu.region"() ({
      %run_scoped3A = tpu.sem_alloc : memref<!tpu.dma_semaphore, #tpu.memory_space<semaphore_mem>>
      %dma_start3A_87 = arith.constant 0 : i32
      %dma_start3A_88 = tpu.memref_slice %arg3[%dma_start3A_87, %mul3A_2] : memref<50x4096xi32, #tpu.memory_space<hbm>> -> memref<50x128xi32, #tpu.memory_space<hbm>>
      %dma_start3A_89 = arith.constant 0 : i32
      %dma_start3A_90 = tpu.memref_slice %arg3[%dma_start3A_89, %mul3A_2] : memref<50x4096xi32, #tpu.memory_space<hbm>> -> memref<50x128xi32, #tpu.memory_space<hbm>>
      tpu.enqueue_dma source(%dma_start3A_90 : memref<50x128xi32, #tpu.memory_space<hbm>>) target(%arg5 : memref<50x128xi32, #tpu.memory_space<vmem>>) target_semaphore(%run_scoped3A : memref<!tpu.dma_semaphore, #tpu.memory_space<semaphore_mem>>)
      %dma_wait3A_91 = arith.constant 0 : i32
      %dma_wait3A_92 = tpu.memref_slice %arg3[%dma_wait3A_91, %mul3A_2] : memref<50x4096xi32, #tpu.memory_space<hbm>> -> memref<50x128xi32, #tpu.memory_space<hbm>>
      %dma_wait3A_93 = arith.constant 0 : i32
      %dma_wait3A_94 = tpu.memref_slice %arg3[%dma_wait3A_93, %mul3A_2] : memref<50x4096xi32, #tpu.memory_space<hbm>> -> memref<50x128xi32, #tpu.memory_space<hbm>>
      tpu.wait_dma2 semaphore(%run_scoped3A : memref<!tpu.dma_semaphore, #tpu.memory_space<semaphore_mem>>) src(%dma_wait3A_94 : memref<50x128xi32, #tpu.memory_space<hbm>>) dst(%arg5 : memref<50x128xi32, #tpu.memory_space<vmem>>)
      tpu.yield
    }) : () -> ()
    %dma_start3A = arith.constant 0 : i32
    %dma_start3A_3 = arith.constant 0 : i32
    %dma_start3A_4 = tpu.memref_slice %arg5[%dma_start3A, %dma_start3A_3] : memref<50x128xi32, #tpu.memory_space<vmem>> -> memref<1x128xi32, #tpu.memory_space<vmem>>
    %dma_start3A_5 = tpu.memref_squeeze %dma_start3A_4 : memref<1x128xi32, #tpu.memory_space<vmem>> -> memref<128xi32, #tpu.memory_space<vmem>>
    %dma_start3A_6 = arith.constant 0 : i32
    %dma_start3A_7 = arith.constant 0 : i32
    %dma_start3A_8 = tpu.memref_slice %arg2[%dma_start3A_6, %dma_start3A_7] : memref<100000x128xf32, #tpu.memory_space<hbm>> -> memref<100000x128xf32, #tpu.memory_space<hbm>>
    tpu.enqueue_indirect_dma source(%dma_start3A_8 : memref<100000x128xf32, #tpu.memory_space<hbm>>) target(%arg6 : memref<128x128xf32, #tpu.memory_space<vmem>>) offsets(%dma_start3A_5 : memref<128xi32, #tpu.memory_space<vmem>>) semaphore(%arg10 : memref<!tpu.dma_semaphore, #tpu.memory_space<semaphore_mem>>)
    %dma_start3A_9 = arith.constant 1 : i32
    %dma_start3A_10 = arith.constant 0 : i32
    %dma_start3A_11 = tpu.memref_slice %arg5[%dma_start3A_9, %dma_start3A_10] : memref<50x128xi32, #tpu.memory_space<vmem>> -> memref<1x128xi32, #tpu.memory_space<vmem>>
    %dma_start3A_12 = tpu.memref_squeeze %dma_start3A_11 : memref<1x128xi32, #tpu.memory_space<vmem>> -> memref<128xi32, #tpu.memory_space<vmem>>
    %dma_start3A_13 = arith.constant 0 : i32
    %dma_start3A_14 = arith.constant 0 : i32
    %dma_start3A_15 = tpu.memref_slice %arg2[%dma_start3A_13, %dma_start3A_14] : memref<100000x128xf32, #tpu.memory_space<hbm>> -> memref<100000x128xf32, #tpu.memory_space<hbm>>
    tpu.enqueue_indirect_dma source(%dma_start3A_15 : memref<100000x128xf32, #tpu.memory_space<hbm>>) target(%arg7 : memref<128x128xf32, #tpu.memory_space<vmem>>) offsets(%dma_start3A_12 : memref<128xi32, #tpu.memory_space<vmem>>) semaphore(%arg11 : memref<!tpu.dma_semaphore, #tpu.memory_space<semaphore_mem>>)
    %dma_start3A_16 = arith.constant 2 : i32
    %dma_start3A_17 = arith.constant 0 : i32
    %dma_start3A_18 = tpu.memref_slice %arg5[%dma_start3A_16, %dma_start3A_17] : memref<50x128xi32, #tpu.memory_space<vmem>> -> memref<1x128xi32, #tpu.memory_space<vmem>>
    %dma_start3A_19 = tpu.memref_squeeze %dma_start3A_18 : memref<1x128xi32, #tpu.memory_space<vmem>> -> memref<128xi32, #tpu.memory_space<vmem>>
    %dma_start3A_20 = arith.constant 0 : i32
    %dma_start3A_21 = arith.constant 0 : i32
    %dma_start3A_22 = tpu.memref_slice %arg2[%dma_start3A_20, %dma_start3A_21] : memref<100000x128xf32, #tpu.memory_space<hbm>> -> memref<100000x128xf32, #tpu.memory_space<hbm>>
    tpu.enqueue_indirect_dma source(%dma_start3A_22 : memref<100000x128xf32, #tpu.memory_space<hbm>>) target(%arg8 : memref<128x128xf32, #tpu.memory_space<vmem>>) offsets(%dma_start3A_19 : memref<128xi32, #tpu.memory_space<vmem>>) semaphore(%arg12 : memref<!tpu.dma_semaphore, #tpu.memory_space<semaphore_mem>>)
    %dma_start3A_23 = arith.constant 3 : i32
    %dma_start3A_24 = arith.constant 0 : i32
    %dma_start3A_25 = tpu.memref_slice %arg5[%dma_start3A_23, %dma_start3A_24] : memref<50x128xi32, #tpu.memory_space<vmem>> -> memref<1x128xi32, #tpu.memory_space<vmem>>
    %dma_start3A_26 = tpu.memref_squeeze %dma_start3A_25 : memref<1x128xi32, #tpu.memory_space<vmem>> -> memref<128xi32, #tpu.memory_space<vmem>>
    %dma_start3A_27 = arith.constant 0 : i32
    %dma_start3A_28 = arith.constant 0 : i32
    %dma_start3A_29 = tpu.memref_slice %arg2[%dma_start3A_27, %dma_start3A_28] : memref<100000x128xf32, #tpu.memory_space<hbm>> -> memref<100000x128xf32, #tpu.memory_space<hbm>>
    tpu.enqueue_indirect_dma source(%dma_start3A_29 : memref<100000x128xf32, #tpu.memory_space<hbm>>) target(%arg9 : memref<128x128xf32, #tpu.memory_space<vmem>>) offsets(%dma_start3A_26 : memref<128xi32, #tpu.memory_space<vmem>>) semaphore(%arg13 : memref<!tpu.dma_semaphore, #tpu.memory_space<semaphore_mem>>)
    %scan3A = arith.constant 0 : i32
    %scan3A_30 = arith.constant 12 : i32
    %scan3A_31 = arith.addi %scan3A, %scan3A_30 : i32
    %scan3A_32 = arith.constant 1 : i32
    scf.for %scan3A_87 = %scan3A to %scan3A_31 step %scan3A_32  : i32 {
      %mul3A_88 = arith.constant 4 : i32
      %mul3A_89 = arith.muli %scan3A_87, %mul3A_88 : i32
      %add3A_90 = arith.constant 0 : i32
      %add3A_91 = arith.addi %add3A_90, %mul3A_89 : i32
      %add3A_92 = arith.constant 0 : i32
      %add3A_93 = arith.addi %add3A_91, %add3A_92 : i32
      %dma_wait3A_94 = arith.constant 0 : i32
      %dma_wait3A_95 = arith.constant 0 : i32
      %dma_wait3A_96 = tpu.memref_slice %arg2[%dma_wait3A_94, %dma_wait3A_95] : memref<100000x128xf32, #tpu.memory_space<hbm>> -> memref<128x128xf32, #tpu.memory_space<hbm>>
      %dma_wait3A_97 = arith.constant 0 : i32
      %dma_wait3A_98 = arith.constant 0 : i32
      %dma_wait3A_99 = tpu.memref_slice %arg2[%dma_wait3A_97, %dma_wait3A_98] : memref<100000x128xf32, #tpu.memory_space<hbm>> -> memref<128x128xf32, #tpu.memory_space<hbm>>
      tpu.wait_dma2 semaphore(%arg10 : memref<!tpu.dma_semaphore, #tpu.memory_space<semaphore_mem>>) src(%dma_wait3A_99 : memref<128x128xf32, #tpu.memory_space<hbm>>) dst(%arg6 : memref<128x128xf32, #tpu.memory_space<vmem>>)
      %dma_start3A_100 = arith.constant 0 : i32
      %dma_start3A_101 = tpu.memref_slice %arg4[%add3A_93, %mul3A_2, %dma_start3A_100] : memref<50x4096x128xf32, #tpu.memory_space<hbm>> -> memref<1x128x128xf32, #tpu.memory_space<hbm>>
      %dma_start3A_102 = tpu.memref_squeeze %dma_start3A_101 : memref<1x128x128xf32, #tpu.memory_space<hbm>> -> memref<128x128xf32, #tpu.memory_space<hbm>>
      %dma_start3A_103 = arith.constant 0 : i32
      %dma_start3A_104 = tpu.memref_slice %arg4[%add3A_93, %mul3A_2, %dma_start3A_103] : memref<50x4096x128xf32, #tpu.memory_space<hbm>> -> memref<1x128x128xf32, #tpu.memory_space<hbm>>
      %dma_start3A_105 = tpu.memref_squeeze %dma_start3A_104 : memref<1x128x128xf32, #tpu.memory_space<hbm>> -> memref<128x128xf32, #tpu.memory_space<hbm>>
      tpu.enqueue_dma source(%arg6 : memref<128x128xf32, #tpu.memory_space<vmem>>) target(%dma_start3A_105 : memref<128x128xf32, #tpu.memory_space<hbm>>) target_semaphore(%arg14 : memref<!tpu.dma_semaphore, #tpu.memory_space<semaphore_mem>>)
      %ge3A = arith.constant 1 : i32
      %ge3A_106 = arith.cmpi sge, %add3A_93, %ge3A : i32
      %add3A_107 = arith.constant 3 : i32
      %add3A_108 = arith.addi %add3A_93, %add3A_107 : i32
      %lt3A = arith.constant 50 : i32
      %lt3A_109 = arith.cmpi slt, %add3A_108, %lt3A : i32
      %and3A = arith.andi %ge3A_106, %lt3A_109 : i1
      %convert_element_type3A = arith.extui %and3A : i1 to i32
      %cond3A = arith.constant 0 : i32
      %cond3A_110 = arith.cmpi ne, %convert_element_type3A, %cond3A : i32
      scf.if %cond3A_110 {
        %sub3A = arith.constant 1 : i32
        %sub3A_183 = arith.subi %add3A_93, %sub3A : i32
        %dma_wait3A_184 = arith.constant 0 : i32
        %dma_wait3A_185 = tpu.memref_slice %arg4[%sub3A_183, %mul3A_2, %dma_wait3A_184] : memref<50x4096x128xf32, #tpu.memory_space<hbm>> -> memref<1x128x128xf32, #tpu.memory_space<hbm>>
        %dma_wait3A_186 = tpu.memref_squeeze %dma_wait3A_185 : memref<1x128x128xf32, #tpu.memory_space<hbm>> -> memref<128x128xf32, #tpu.memory_space<hbm>>
        %dma_wait3A_187 = arith.constant 0 : i32
        %dma_wait3A_188 = tpu.memref_slice %arg4[%sub3A_183, %mul3A_2, %dma_wait3A_187] : memref<50x4096x128xf32, #tpu.memory_space<hbm>> -> memref<1x128x128xf32, #tpu.memory_space<hbm>>
        %dma_wait3A_189 = tpu.memref_squeeze %dma_wait3A_188 : memref<1x128x128xf32, #tpu.memory_space<hbm>> -> memref<128x128xf32, #tpu.memory_space<hbm>>
        tpu.wait_dma2 semaphore(%arg17 : memref<!tpu.dma_semaphore, #tpu.memory_space<semaphore_mem>>) src(%arg9 : memref<128x128xf32, #tpu.memory_space<vmem>>) dst(%dma_wait3A_189 : memref<128x128xf32, #tpu.memory_space<hbm>>)
        %add3A_190 = arith.constant 3 : i32
        %add3A_191 = arith.addi %add3A_93, %add3A_190 : i32
        %dma_start3A_192 = arith.constant 0 : i32
        %dma_start3A_193 = tpu.memref_slice %arg5[%add3A_191, %dma_start3A_192] : memref<50x128xi32, #tpu.memory_space<vmem>> -> memref<1x128xi32, #tpu.memory_space<vmem>>
        %dma_start3A_194 = tpu.memref_squeeze %dma_start3A_193 : memref<1x128xi32, #tpu.memory_space<vmem>> -> memref<128xi32, #tpu.memory_space<vmem>>
        %dma_start3A_195 = arith.constant 0 : i32
        %dma_start3A_196 = arith.constant 0 : i32
        %dma_start3A_197 = tpu.memref_slice %arg2[%dma_start3A_195, %dma_start3A_196] : memref<100000x128xf32, #tpu.memory_space<hbm>> -> memref<100000x128xf32, #tpu.memory_space<hbm>>
        tpu.enqueue_indirect_dma source(%dma_start3A_197 : memref<100000x128xf32, #tpu.memory_space<hbm>>) target(%arg9 : memref<128x128xf32, #tpu.memory_space<vmem>>) offsets(%dma_start3A_194 : memref<128xi32, #tpu.memory_space<vmem>>) semaphore(%arg13 : memref<!tpu.dma_semaphore, #tpu.memory_space<semaphore_mem>>)
      } else {
      }
      %add3A_111 = arith.constant 1 : i32
      %add3A_112 = arith.addi %add3A_91, %add3A_111 : i32
      %dma_wait3A_113 = arith.constant 0 : i32
      %dma_wait3A_114 = arith.constant 0 : i32
      %dma_wait3A_115 = tpu.memref_slice %arg2[%dma_wait3A_113, %dma_wait3A_114] : memref<100000x128xf32, #tpu.memory_space<hbm>> -> memref<128x128xf32, #tpu.memory_space<hbm>>
      %dma_wait3A_116 = arith.constant 0 : i32
      %dma_wait3A_117 = arith.constant 0 : i32
      %dma_wait3A_118 = tpu.memref_slice %arg2[%dma_wait3A_116, %dma_wait3A_117] : memref<100000x128xf32, #tpu.memory_space<hbm>> -> memref<128x128xf32, #tpu.memory_space<hbm>>
      tpu.wait_dma2 semaphore(%arg11 : memref<!tpu.dma_semaphore, #tpu.memory_space<semaphore_mem>>) src(%dma_wait3A_118 : memref<128x128xf32, #tpu.memory_space<hbm>>) dst(%arg7 : memref<128x128xf32, #tpu.memory_space<vmem>>)
      %dma_start3A_119 = arith.constant 0 : i32
      %dma_start3A_120 = tpu.memref_slice %arg4[%add3A_112, %mul3A_2, %dma_start3A_119] : memref<50x4096x128xf32, #tpu.memory_space<hbm>> -> memref<1x128x128xf32, #tpu.memory_space<hbm>>
      %dma_start3A_121 = tpu.memref_squeeze %dma_start3A_120 : memref<1x128x128xf32, #tpu.memory_space<hbm>> -> memref<128x128xf32, #tpu.memory_space<hbm>>
      %dma_start3A_122 = arith.constant 0 : i32
      %dma_start3A_123 = tpu.memref_slice %arg4[%add3A_112, %mul3A_2, %dma_start3A_122] : memref<50x4096x128xf32, #tpu.memory_space<hbm>> -> memref<1x128x128xf32, #tpu.memory_space<hbm>>
      %dma_start3A_124 = tpu.memref_squeeze %dma_start3A_123 : memref<1x128x128xf32, #tpu.memory_space<hbm>> -> memref<128x128xf32, #tpu.memory_space<hbm>>
      tpu.enqueue_dma source(%arg7 : memref<128x128xf32, #tpu.memory_space<vmem>>) target(%dma_start3A_124 : memref<128x128xf32, #tpu.memory_space<hbm>>) target_semaphore(%arg15 : memref<!tpu.dma_semaphore, #tpu.memory_space<semaphore_mem>>)
      %ge3A_125 = arith.constant 1 : i32
      %ge3A_126 = arith.cmpi sge, %add3A_112, %ge3A_125 : i32
      %add3A_127 = arith.constant 3 : i32
      %add3A_128 = arith.addi %add3A_112, %add3A_127 : i32
      %lt3A_129 = arith.constant 50 : i32
      %lt3A_130 = arith.cmpi slt, %add3A_128, %lt3A_129 : i32
      %and3A_131 = arith.andi %ge3A_126, %lt3A_130 : i1
      %convert_element_type3A_132 = arith.extui %and3A_131 : i1 to i32
      %cond3A_133 = arith.constant 0 : i32
      %cond3A_134 = arith.cmpi ne, %convert_element_type3A_132, %cond3A_133 : i32
      scf.if %cond3A_134 {
        %sub3A = arith.constant 1 : i32
        %sub3A_183 = arith.subi %add3A_112, %sub3A : i32
        %dma_wait3A_184 = arith.constant 0 : i32
        %dma_wait3A_185 = tpu.memref_slice %arg4[%sub3A_183, %mul3A_2, %dma_wait3A_184] : memref<50x4096x128xf32, #tpu.memory_space<hbm>> -> memref<1x128x128xf32, #tpu.memory_space<hbm>>
        %dma_wait3A_186 = tpu.memref_squeeze %dma_wait3A_185 : memref<1x128x128xf32, #tpu.memory_space<hbm>> -> memref<128x128xf32, #tpu.memory_space<hbm>>
        %dma_wait3A_187 = arith.constant 0 : i32
        %dma_wait3A_188 = tpu.memref_slice %arg4[%sub3A_183, %mul3A_2, %dma_wait3A_187] : memref<50x4096x128xf32, #tpu.memory_space<hbm>> -> memref<1x128x128xf32, #tpu.memory_space<hbm>>
        %dma_wait3A_189 = tpu.memref_squeeze %dma_wait3A_188 : memref<1x128x128xf32, #tpu.memory_space<hbm>> -> memref<128x128xf32, #tpu.memory_space<hbm>>
        tpu.wait_dma2 semaphore(%arg14 : memref<!tpu.dma_semaphore, #tpu.memory_space<semaphore_mem>>) src(%arg6 : memref<128x128xf32, #tpu.memory_space<vmem>>) dst(%dma_wait3A_189 : memref<128x128xf32, #tpu.memory_space<hbm>>)
        %add3A_190 = arith.constant 3 : i32
        %add3A_191 = arith.addi %add3A_112, %add3A_190 : i32
        %dma_start3A_192 = arith.constant 0 : i32
        %dma_start3A_193 = tpu.memref_slice %arg5[%add3A_191, %dma_start3A_192] : memref<50x128xi32, #tpu.memory_space<vmem>> -> memref<1x128xi32, #tpu.memory_space<vmem>>
        %dma_start3A_194 = tpu.memref_squeeze %dma_start3A_193 : memref<1x128xi32, #tpu.memory_space<vmem>> -> memref<128xi32, #tpu.memory_space<vmem>>
        %dma_start3A_195 = arith.constant 0 : i32
        %dma_start3A_196 = arith.constant 0 : i32
        %dma_start3A_197 = tpu.memref_slice %arg2[%dma_start3A_195, %dma_start3A_196] : memref<100000x128xf32, #tpu.memory_space<hbm>> -> memref<100000x128xf32, #tpu.memory_space<hbm>>
        tpu.enqueue_indirect_dma source(%dma_start3A_197 : memref<100000x128xf32, #tpu.memory_space<hbm>>) target(%arg6 : memref<128x128xf32, #tpu.memory_space<vmem>>) offsets(%dma_start3A_194 : memref<128xi32, #tpu.memory_space<vmem>>) semaphore(%arg10 : memref<!tpu.dma_semaphore, #tpu.memory_space<semaphore_mem>>)
      } else {
      }
      %add3A_135 = arith.constant 2 : i32
      %add3A_136 = arith.addi %add3A_91, %add3A_135 : i32
      %dma_wait3A_137 = arith.constant 0 : i32
      %dma_wait3A_138 = arith.constant 0 : i32
      %dma_wait3A_139 = tpu.memref_slice %arg2[%dma_wait3A_137, %dma_wait3A_138] : memref<100000x128xf32, #tpu.memory_space<hbm>> -> memref<128x128xf32, #tpu.memory_space<hbm>>
      %dma_wait3A_140 = arith.constant 0 : i32
      %dma_wait3A_141 = arith.constant 0 : i32
      %dma_wait3A_142 = tpu.memref_slice %arg2[%dma_wait3A_140, %dma_wait3A_141] : memref<100000x128xf32, #tpu.memory_space<hbm>> -> memref<128x128xf32, #tpu.memory_space<hbm>>
      tpu.wait_dma2 semaphore(%arg12 : memref<!tpu.dma_semaphore, #tpu.memory_space<semaphore_mem>>) src(%dma_wait3A_142 : memref<128x128xf32, #tpu.memory_space<hbm>>) dst(%arg8 : memref<128x128xf32, #tpu.memory_space<vmem>>)
      %dma_start3A_143 = arith.constant 0 : i32
      %dma_start3A_144 = tpu.memref_slice %arg4[%add3A_136, %mul3A_2, %dma_start3A_143] : memref<50x4096x128xf32, #tpu.memory_space<hbm>> -> memref<1x128x128xf32, #tpu.memory_space<hbm>>
      %dma_start3A_145 = tpu.memref_squeeze %dma_start3A_144 : memref<1x128x128xf32, #tpu.memory_space<hbm>> -> memref<128x128xf32, #tpu.memory_space<hbm>>
      %dma_start3A_146 = arith.constant 0 : i32
      %dma_start3A_147 = tpu.memref_slice %arg4[%add3A_136, %mul3A_2, %dma_start3A_146] : memref<50x4096x128xf32, #tpu.memory_space<hbm>> -> memref<1x128x128xf32, #tpu.memory_space<hbm>>
      %dma_start3A_148 = tpu.memref_squeeze %dma_start3A_147 : memref<1x128x128xf32, #tpu.memory_space<hbm>> -> memref<128x128xf32, #tpu.memory_space<hbm>>
      tpu.enqueue_dma source(%arg8 : memref<128x128xf32, #tpu.memory_space<vmem>>) target(%dma_start3A_148 : memref<128x128xf32, #tpu.memory_space<hbm>>) target_semaphore(%arg16 : memref<!tpu.dma_semaphore, #tpu.memory_space<semaphore_mem>>)
      %ge3A_149 = arith.constant 1 : i32
      %ge3A_150 = arith.cmpi sge, %add3A_136, %ge3A_149 : i32
      %add3A_151 = arith.constant 3 : i32
      %add3A_152 = arith.addi %add3A_136, %add3A_151 : i32
      %lt3A_153 = arith.constant 50 : i32
      %lt3A_154 = arith.cmpi slt, %add3A_152, %lt3A_153 : i32
      %and3A_155 = arith.andi %ge3A_150, %lt3A_154 : i1
      %convert_element_type3A_156 = arith.extui %and3A_155 : i1 to i32
      %cond3A_157 = arith.constant 0 : i32
      %cond3A_158 = arith.cmpi ne, %convert_element_type3A_156, %cond3A_157 : i32
      scf.if %cond3A_158 {
        %sub3A = arith.constant 1 : i32
        %sub3A_183 = arith.subi %add3A_136, %sub3A : i32
        %dma_wait3A_184 = arith.constant 0 : i32
        %dma_wait3A_185 = tpu.memref_slice %arg4[%sub3A_183, %mul3A_2, %dma_wait3A_184] : memref<50x4096x128xf32, #tpu.memory_space<hbm>> -> memref<1x128x128xf32, #tpu.memory_space<hbm>>
        %dma_wait3A_186 = tpu.memref_squeeze %dma_wait3A_185 : memref<1x128x128xf32, #tpu.memory_space<hbm>> -> memref<128x128xf32, #tpu.memory_space<hbm>>
        %dma_wait3A_187 = arith.constant 0 : i32
        %dma_wait3A_188 = tpu.memref_slice %arg4[%sub3A_183, %mul3A_2, %dma_wait3A_187] : memref<50x4096x128xf32, #tpu.memory_space<hbm>> -> memref<1x128x128xf32, #tpu.memory_space<hbm>>
        %dma_wait3A_189 = tpu.memref_squeeze %dma_wait3A_188 : memref<1x128x128xf32, #tpu.memory_space<hbm>> -> memref<128x128xf32, #tpu.memory_space<hbm>>
        tpu.wait_dma2 semaphore(%arg15 : memref<!tpu.dma_semaphore, #tpu.memory_space<semaphore_mem>>) src(%arg7 : memref<128x128xf32, #tpu.memory_space<vmem>>) dst(%dma_wait3A_189 : memref<128x128xf32, #tpu.memory_space<hbm>>)
        %add3A_190 = arith.constant 3 : i32
        %add3A_191 = arith.addi %add3A_136, %add3A_190 : i32
        %dma_start3A_192 = arith.constant 0 : i32
        %dma_start3A_193 = tpu.memref_slice %arg5[%add3A_191, %dma_start3A_192] : memref<50x128xi32, #tpu.memory_space<vmem>> -> memref<1x128xi32, #tpu.memory_space<vmem>>
        %dma_start3A_194 = tpu.memref_squeeze %dma_start3A_193 : memref<1x128xi32, #tpu.memory_space<vmem>> -> memref<128xi32, #tpu.memory_space<vmem>>
        %dma_start3A_195 = arith.constant 0 : i32
        %dma_start3A_196 = arith.constant 0 : i32
        %dma_start3A_197 = tpu.memref_slice %arg2[%dma_start3A_195, %dma_start3A_196] : memref<100000x128xf32, #tpu.memory_space<hbm>> -> memref<100000x128xf32, #tpu.memory_space<hbm>>
        tpu.enqueue_indirect_dma source(%dma_start3A_197 : memref<100000x128xf32, #tpu.memory_space<hbm>>) target(%arg7 : memref<128x128xf32, #tpu.memory_space<vmem>>) offsets(%dma_start3A_194 : memref<128xi32, #tpu.memory_space<vmem>>) semaphore(%arg11 : memref<!tpu.dma_semaphore, #tpu.memory_space<semaphore_mem>>)
      } else {
      }
      %add3A_159 = arith.constant 3 : i32
      %add3A_160 = arith.addi %add3A_91, %add3A_159 : i32
      %dma_wait3A_161 = arith.constant 0 : i32
      %dma_wait3A_162 = arith.constant 0 : i32
      %dma_wait3A_163 = tpu.memref_slice %arg2[%dma_wait3A_161, %dma_wait3A_162] : memref<100000x128xf32, #tpu.memory_space<hbm>> -> memref<128x128xf32, #tpu.memory_space<hbm>>
      %dma_wait3A_164 = arith.constant 0 : i32
      %dma_wait3A_165 = arith.constant 0 : i32
      %dma_wait3A_166 = tpu.memref_slice %arg2[%dma_wait3A_164, %dma_wait3A_165] : memref<100000x128xf32, #tpu.memory_space<hbm>> -> memref<128x128xf32, #tpu.memory_space<hbm>>
      tpu.wait_dma2 semaphore(%arg13 : memref<!tpu.dma_semaphore, #tpu.memory_space<semaphore_mem>>) src(%dma_wait3A_166 : memref<128x128xf32, #tpu.memory_space<hbm>>) dst(%arg9 : memref<128x128xf32, #tpu.memory_space<vmem>>)
      %dma_start3A_167 = arith.constant 0 : i32
      %dma_start3A_168 = tpu.memref_slice %arg4[%add3A_160, %mul3A_2, %dma_start3A_167] : memref<50x4096x128xf32, #tpu.memory_space<hbm>> -> memref<1x128x128xf32, #tpu.memory_space<hbm>>
      %dma_start3A_169 = tpu.memref_squeeze %dma_start3A_168 : memref<1x128x128xf32, #tpu.memory_space<hbm>> -> memref<128x128xf32, #tpu.memory_space<hbm>>
      %dma_start3A_170 = arith.constant 0 : i32
      %dma_start3A_171 = tpu.memref_slice %arg4[%add3A_160, %mul3A_2, %dma_start3A_170] : memref<50x4096x128xf32, #tpu.memory_space<hbm>> -> memref<1x128x128xf32, #tpu.memory_space<hbm>>
      %dma_start3A_172 = tpu.memref_squeeze %dma_start3A_171 : memref<1x128x128xf32, #tpu.memory_space<hbm>> -> memref<128x128xf32, #tpu.memory_space<hbm>>
      tpu.enqueue_dma source(%arg9 : memref<128x128xf32, #tpu.memory_space<vmem>>) target(%dma_start3A_172 : memref<128x128xf32, #tpu.memory_space<hbm>>) target_semaphore(%arg17 : memref<!tpu.dma_semaphore, #tpu.memory_space<semaphore_mem>>)
      %ge3A_173 = arith.constant 1 : i32
      %ge3A_174 = arith.cmpi sge, %add3A_160, %ge3A_173 : i32
      %add3A_175 = arith.constant 3 : i32
      %add3A_176 = arith.addi %add3A_160, %add3A_175 : i32
      %lt3A_177 = arith.constant 50 : i32
      %lt3A_178 = arith.cmpi slt, %add3A_176, %lt3A_177 : i32
      %and3A_179 = arith.andi %ge3A_174, %lt3A_178 : i1
      %convert_element_type3A_180 = arith.extui %and3A_179 : i1 to i32
      %cond3A_181 = arith.constant 0 : i32
      %cond3A_182 = arith.cmpi ne, %convert_element_type3A_180, %cond3A_181 : i32
      scf.if %cond3A_182 {
        %sub3A = arith.constant 1 : i32
        %sub3A_183 = arith.subi %add3A_160, %sub3A : i32
        %dma_wait3A_184 = arith.constant 0 : i32
        %dma_wait3A_185 = tpu.memref_slice %arg4[%sub3A_183, %mul3A_2, %dma_wait3A_184] : memref<50x4096x128xf32, #tpu.memory_space<hbm>> -> memref<1x128x128xf32, #tpu.memory_space<hbm>>
        %dma_wait3A_186 = tpu.memref_squeeze %dma_wait3A_185 : memref<1x128x128xf32, #tpu.memory_space<hbm>> -> memref<128x128xf32, #tpu.memory_space<hbm>>
        %dma_wait3A_187 = arith.constant 0 : i32
        %dma_wait3A_188 = tpu.memref_slice %arg4[%sub3A_183, %mul3A_2, %dma_wait3A_187] : memref<50x4096x128xf32, #tpu.memory_space<hbm>> -> memref<1x128x128xf32, #tpu.memory_space<hbm>>
        %dma_wait3A_189 = tpu.memref_squeeze %dma_wait3A_188 : memref<1x128x128xf32, #tpu.memory_space<hbm>> -> memref<128x128xf32, #tpu.memory_space<hbm>>
        tpu.wait_dma2 semaphore(%arg16 : memref<!tpu.dma_semaphore, #tpu.memory_space<semaphore_mem>>) src(%arg8 : memref<128x128xf32, #tpu.memory_space<vmem>>) dst(%dma_wait3A_189 : memref<128x128xf32, #tpu.memory_space<hbm>>)
        %add3A_190 = arith.constant 3 : i32
        %add3A_191 = arith.addi %add3A_160, %add3A_190 : i32
        %dma_start3A_192 = arith.constant 0 : i32
        %dma_start3A_193 = tpu.memref_slice %arg5[%add3A_191, %dma_start3A_192] : memref<50x128xi32, #tpu.memory_space<vmem>> -> memref<1x128xi32, #tpu.memory_space<vmem>>
        %dma_start3A_194 = tpu.memref_squeeze %dma_start3A_193 : memref<1x128xi32, #tpu.memory_space<vmem>> -> memref<128xi32, #tpu.memory_space<vmem>>
        %dma_start3A_195 = arith.constant 0 : i32
        %dma_start3A_196 = arith.constant 0 : i32
        %dma_start3A_197 = tpu.memref_slice %arg2[%dma_start3A_195, %dma_start3A_196] : memref<100000x128xf32, #tpu.memory_space<hbm>> -> memref<100000x128xf32, #tpu.memory_space<hbm>>
        tpu.enqueue_indirect_dma source(%dma_start3A_197 : memref<100000x128xf32, #tpu.memory_space<hbm>>) target(%arg8 : memref<128x128xf32, #tpu.memory_space<vmem>>) offsets(%dma_start3A_194 : memref<128xi32, #tpu.memory_space<vmem>>) semaphore(%arg12 : memref<!tpu.dma_semaphore, #tpu.memory_space<semaphore_mem>>)
      } else {
      }
    }
    %scan3A_33 = arith.constant 12 : i32
    %dma_wait3A = arith.constant 0 : i32
    %dma_wait3A_34 = arith.constant 0 : i32
    %dma_wait3A_35 = tpu.memref_slice %arg2[%dma_wait3A, %dma_wait3A_34] : memref<100000x128xf32, #tpu.memory_space<hbm>> -> memref<128x128xf32, #tpu.memory_space<hbm>>
    %dma_wait3A_36 = arith.constant 0 : i32
    %dma_wait3A_37 = arith.constant 0 : i32
    %dma_wait3A_38 = tpu.memref_slice %arg2[%dma_wait3A_36, %dma_wait3A_37] : memref<100000x128xf32, #tpu.memory_space<hbm>> -> memref<128x128xf32, #tpu.memory_space<hbm>>
    tpu.wait_dma2 semaphore(%arg10 : memref<!tpu.dma_semaphore, #tpu.memory_space<semaphore_mem>>) src(%dma_wait3A_38 : memref<128x128xf32, #tpu.memory_space<hbm>>) dst(%arg6 : memref<128x128xf32, #tpu.memory_space<vmem>>)
    %dma_start3A_39 = arith.constant 48 : i32
    %dma_start3A_40 = arith.constant 0 : i32
    %dma_start3A_41 = tpu.memref_slice %arg4[%dma_start3A_39, %mul3A_2, %dma_start3A_40] : memref<50x4096x128xf32, #tpu.memory_space<hbm>> -> memref<1x128x128xf32, #tpu.memory_space<hbm>>
    %dma_start3A_42 = tpu.memref_squeeze %dma_start3A_41 : memref<1x128x128xf32, #tpu.memory_space<hbm>> -> memref<128x128xf32, #tpu.memory_space<hbm>>
    %dma_start3A_43 = arith.constant 0 : i32
    %dma_start3A_44 = tpu.memref_slice %arg4[%dma_start3A_39, %mul3A_2, %dma_start3A_43] : memref<50x4096x128xf32, #tpu.memory_space<hbm>> -> memref<1x128x128xf32, #tpu.memory_space<hbm>>
    %dma_start3A_45 = tpu.memref_squeeze %dma_start3A_44 : memref<1x128x128xf32, #tpu.memory_space<hbm>> -> memref<128x128xf32, #tpu.memory_space<hbm>>
    tpu.enqueue_dma source(%arg6 : memref<128x128xf32, #tpu.memory_space<vmem>>) target(%dma_start3A_45 : memref<128x128xf32, #tpu.memory_space<hbm>>) target_semaphore(%arg14 : memref<!tpu.dma_semaphore, #tpu.memory_space<semaphore_mem>>)
    %dma_wait3A_46 = arith.constant 46 : i32
    %dma_wait3A_47 = arith.constant 0 : i32
    %dma_wait3A_48 = tpu.memref_slice %arg4[%dma_wait3A_46, %mul3A_2, %dma_wait3A_47] : memref<50x4096x128xf32, #tpu.memory_space<hbm>> -> memref<1x128x128xf32, #tpu.memory_space<hbm>>
    %dma_wait3A_49 = tpu.memref_squeeze %dma_wait3A_48 : memref<1x128x128xf32, #tpu.memory_space<hbm>> -> memref<128x128xf32, #tpu.memory_space<hbm>>
    %dma_wait3A_50 = arith.constant 0 : i32
    %dma_wait3A_51 = tpu.memref_slice %arg4[%dma_wait3A_46, %mul3A_2, %dma_wait3A_50] : memref<50x4096x128xf32, #tpu.memory_space<hbm>> -> memref<1x128x128xf32, #tpu.memory_space<hbm>>
    %dma_wait3A_52 = tpu.memref_squeeze %dma_wait3A_51 : memref<1x128x128xf32, #tpu.memory_space<hbm>> -> memref<128x128xf32, #tpu.memory_space<hbm>>
    tpu.wait_dma2 semaphore(%arg16 : memref<!tpu.dma_semaphore, #tpu.memory_space<semaphore_mem>>) src(%arg8 : memref<128x128xf32, #tpu.memory_space<vmem>>) dst(%dma_wait3A_52 : memref<128x128xf32, #tpu.memory_space<hbm>>)
    %dma_wait3A_53 = arith.constant 47 : i32
    %dma_wait3A_54 = arith.constant 0 : i32
    %dma_wait3A_55 = tpu.memref_slice %arg4[%dma_wait3A_53, %mul3A_2, %dma_wait3A_54] : memref<50x4096x128xf32, #tpu.memory_space<hbm>> -> memref<1x128x128xf32, #tpu.memory_space<hbm>>
    %dma_wait3A_56 = tpu.memref_squeeze %dma_wait3A_55 : memref<1x128x128xf32, #tpu.memory_space<hbm>> -> memref<128x128xf32, #tpu.memory_space<hbm>>
    %dma_wait3A_57 = arith.constant 0 : i32
    %dma_wait3A_58 = tpu.memref_slice %arg4[%dma_wait3A_53, %mul3A_2, %dma_wait3A_57] : memref<50x4096x128xf32, #tpu.memory_space<hbm>> -> memref<1x128x128xf32, #tpu.memory_space<hbm>>
    %dma_wait3A_59 = tpu.memref_squeeze %dma_wait3A_58 : memref<1x128x128xf32, #tpu.memory_space<hbm>> -> memref<128x128xf32, #tpu.memory_space<hbm>>
    tpu.wait_dma2 semaphore(%arg17 : memref<!tpu.dma_semaphore, #tpu.memory_space<semaphore_mem>>) src(%arg9 : memref<128x128xf32, #tpu.memory_space<vmem>>) dst(%dma_wait3A_59 : memref<128x128xf32, #tpu.memory_space<hbm>>)
    %dma_wait3A_60 = arith.constant 0 : i32
    %dma_wait3A_61 = arith.constant 0 : i32
    %dma_wait3A_62 = tpu.memref_slice %arg2[%dma_wait3A_60, %dma_wait3A_61] : memref<100000x128xf32, #tpu.memory_space<hbm>> -> memref<128x128xf32, #tpu.memory_space<hbm>>
    %dma_wait3A_63 = arith.constant 0 : i32
    %dma_wait3A_64 = arith.constant 0 : i32
    %dma_wait3A_65 = tpu.memref_slice %arg2[%dma_wait3A_63, %dma_wait3A_64] : memref<100000x128xf32, #tpu.memory_space<hbm>> -> memref<128x128xf32, #tpu.memory_space<hbm>>
    tpu.wait_dma2 semaphore(%arg11 : memref<!tpu.dma_semaphore, #tpu.memory_space<semaphore_mem>>) src(%dma_wait3A_65 : memref<128x128xf32, #tpu.memory_space<hbm>>) dst(%arg7 : memref<128x128xf32, #tpu.memory_space<vmem>>)
    %dma_start3A_66 = arith.constant 49 : i32
    %dma_start3A_67 = arith.constant 0 : i32
    %dma_start3A_68 = tpu.memref_slice %arg4[%dma_start3A_66, %mul3A_2, %dma_start3A_67] : memref<50x4096x128xf32, #tpu.memory_space<hbm>> -> memref<1x128x128xf32, #tpu.memory_space<hbm>>
    %dma_start3A_69 = tpu.memref_squeeze %dma_start3A_68 : memref<1x128x128xf32, #tpu.memory_space<hbm>> -> memref<128x128xf32, #tpu.memory_space<hbm>>
    %dma_start3A_70 = arith.constant 0 : i32
    %dma_start3A_71 = tpu.memref_slice %arg4[%dma_start3A_66, %mul3A_2, %dma_start3A_70] : memref<50x4096x128xf32, #tpu.memory_space<hbm>> -> memref<1x128x128xf32, #tpu.memory_space<hbm>>
    %dma_start3A_72 = tpu.memref_squeeze %dma_start3A_71 : memref<1x128x128xf32, #tpu.memory_space<hbm>> -> memref<128x128xf32, #tpu.memory_space<hbm>>
    tpu.enqueue_dma source(%arg7 : memref<128x128xf32, #tpu.memory_space<vmem>>) target(%dma_start3A_72 : memref<128x128xf32, #tpu.memory_space<hbm>>) target_semaphore(%arg15 : memref<!tpu.dma_semaphore, #tpu.memory_space<semaphore_mem>>)
    %dma_wait3A_73 = arith.constant 48 : i32
    %dma_wait3A_74 = arith.constant 0 : i32
    %dma_wait3A_75 = tpu.memref_slice %arg4[%dma_wait3A_73, %mul3A_2, %dma_wait3A_74] : memref<50x4096x128xf32, #tpu.memory_space<hbm>> -> memref<1x128x128xf32, #tpu.memory_space<hbm>>
    %dma_wait3A_76 = tpu.memref_squeeze %dma_wait3A_75 : memref<1x128x128xf32, #tpu.memory_space<hbm>> -> memref<128x128xf32, #tpu.memory_space<hbm>>
    %dma_wait3A_77 = arith.constant 0 : i32
    %dma_wait3A_78 = tpu.memref_slice %arg4[%dma_wait3A_73, %mul3A_2, %dma_wait3A_77] : memref<50x4096x128xf32, #tpu.memory_space<hbm>> -> memref<1x128x128xf32, #tpu.memory_space<hbm>>
    %dma_wait3A_79 = tpu.memref_squeeze %dma_wait3A_78 : memref<1x128x128xf32, #tpu.memory_space<hbm>> -> memref<128x128xf32, #tpu.memory_space<hbm>>
    tpu.wait_dma2 semaphore(%arg14 : memref<!tpu.dma_semaphore, #tpu.memory_space<semaphore_mem>>) src(%arg6 : memref<128x128xf32, #tpu.memory_space<vmem>>) dst(%dma_wait3A_79 : memref<128x128xf32, #tpu.memory_space<hbm>>)
    %dma_wait3A_80 = arith.constant 49 : i32
    %dma_wait3A_81 = arith.constant 0 : i32
    %dma_wait3A_82 = tpu.memref_slice %arg4[%dma_wait3A_80, %mul3A_2, %dma_wait3A_81] : memref<50x4096x128xf32, #tpu.memory_space<hbm>> -> memref<1x128x128xf32, #tpu.memory_space<hbm>>
    %dma_wait3A_83 = tpu.memref_squeeze %dma_wait3A_82 : memref<1x128x128xf32, #tpu.memory_space<hbm>> -> memref<128x128xf32, #tpu.memory_space<hbm>>
    %dma_wait3A_84 = arith.constant 0 : i32
    %dma_wait3A_85 = tpu.memref_slice %arg4[%dma_wait3A_80, %mul3A_2, %dma_wait3A_84] : memref<50x4096x128xf32, #tpu.memory_space<hbm>> -> memref<1x128x128xf32, #tpu.memory_space<hbm>>
    %dma_wait3A_86 = tpu.memref_squeeze %dma_wait3A_85 : memref<1x128x128xf32, #tpu.memory_space<hbm>> -> memref<128x128xf32, #tpu.memory_space<hbm>>
    tpu.wait_dma2 semaphore(%arg15 : memref<!tpu.dma_semaphore, #tpu.memory_space<semaphore_mem>>) src(%arg7 : memref<128x128xf32, #tpu.memory_space<vmem>>) dst(%dma_wait3A_86 : memref<128x128xf32, #tpu.memory_space<hbm>>)
    return
  }
}

</mosaic_0001>

<sc_bundles>
// kernel: kernel.3.cloned.1.call-start
scs
__scs_entry_jumppad:
0x0: {  	(pc) =	sbr.rel $0x88, $3  }
0x1: {  	(tag) =	ssettag $0x0;
	lr =	simm.s32 $0x1  }
0x2: {  	[smem:$0x3F9F] =	sst lr;
	_ =	strace $0xD0000000  }
0x3: {  	_ = 	snop  }
0x4: {  	_ = 	snop  }
0x5: {  	_ = 	snop  }
0x6: {  	_ = 	snop  }
0x7: {  	_ = 	snop  }
__scs_overlays_trampoline_lowered:
0x8: {  	[smem:$0x3FAE] =	sst s0  }
0x9: {  	[smem:$0x3FAF] =	sst s1  }
0xa: {  	[smem:$0x3FB0] =	sst s2  }
0xb: {  	[smem:$0x3FB1] =	sst s3  }
0xc: {  	[smem:$0x3FB2] =	sst s4  }
0xd: {  	[smem:$0x3FB3] =	sst s5  }
0xe: {  	[smem:$0x3FB4] =	sst s6  }
0xf: {  	[smem:$0x3FB5] =	sst s7  }
0x10: {  	[smem:$0x3FB6] =	sst s8  }
0x11: {  	[smem:$0x3FB7] =	sst s9;
	s0 =	simm.s32 @!p0 $0x0  }
0x12: {  	s1 =	sld [smem:$0x3F9D];
	s0 =	simm.s32 @p0 $0x1  }
0x13: {  	[smem:$0x3FB8] =	sst s0;
	s0 =	simm.s32 @!p1 $0x0  }
0x14: {  	s2 =	sld [smem:$0x3F9C];
	s0 =	simm.s32 @p1 $0x1  }
0x15: {  	[smem:$0x3FB9] =	sst s0;
	s0 =	simm.s32 @!p2 $0x0  }
0x16: {  	s3 =	sld [smem:$0x3FDB];
	s0 =	simm.s32 @p2 $0x1  }
0x17: {  	s4 =	simm.s32 $0x1BF5;
	[smem:$0x3FBB] =	sst s0  }
0x18: {  	s0 =	sld [smem:$0x3F9E];
	_ =	swait.ge [sflag:s4], $0x0  }
0x19: {  	s7 =	sld [smem:$0x3F9F]  }
0x1a: {  	s8 =	sadd.s32 $0xFFFFE003, lr  }
0x1b: {  	s9 =	sadd.s32 $0xFFFFFEF7, lr;
	s5 =	simm.s32 $0xFFFFFFFF;
	p2 =	slt.u32 s8, $0xFFFFF086  }
0x1c: {  	p1 =	slt.u32 s9, $0xF7A;
	s5 =	simm.s32 @!p2 $0x0  }
0x1d: {  	s5 =	simm.s32 @p1 $0x1;
	p0 =	seq.s32 s7, s2  }
0x1e: {  	s7 =	smul.u32 @!p0 $0xF7A, s2;
	p2 =	seq.s32 @!p0 s5, $0x0  }
0x1f: {  	s9 =	smul.u32 $0xF7A, s1;
	s8 =	simm.s32 @!p0 $0x1BF5;
	p2 =	por !p2, p0  }
0x20: {  	[sflag:s8] =	ssyncset.s32 @!p0 $0xFFFFF086;
	s6 =	sadd.s32 @!p0 s3, s7;
	s7 =	simm.s32 @!p0 $0x108  }
0x21: {  	s3 =	sadd.s32 s3, s9;
	s6 =	sadd.s32 @!p0 $0x88, s6;
	s7 =	simm.s32 @p2 $0x1082  }
0x22: {  	[simem:s7], [sflag:s8] =	dma.local @!p0 [hbm:s6], $0xF7A  }
0x23: {  	s9 =	sor.u32 $0xD0000000, s2;
	s6 =	simm.s32 $0x108;
	_ =	swait.ge @!p0 [sflag:s8], $0x0  }
0x24: {  	s3 =	sadd.s32 $0x88, s3;
	s6 =	simm.s32 @!p1 $0x1082;
	[sflag:s4] =	ssyncset.s32 $0xFFFFF086  }
0x25: {  	[simem:s6], [sflag:s4] =	dma.local [hbm:s3], $0xF7A  }
0x26: {  	[smem:$0x3F9F] =	sst s1;
	(tag) =	ssettag s2;
	_ =	strace s9  }
0x27: {  	s1 =	sld [smem:$0x3FAF]  }
0x28: {  	s2 =	sld [smem:$0x3FB0]  }
0x29: {  	s4 =	sld [smem:$0x3FB2]  }
0x2a: {  	p0 =	seq.s32 s5, $0x0;
	s5 =	sld [smem:$0x3FB3]  }
0x2b: {  	s6 =	sld [smem:$0x3FB4]  }
0x2c: {  	s7 =	sld [smem:$0x3FB5]  }
0x2d: {  	s3 =	simm.s32 $0x108;
	s8 =	sld [smem:$0x3FB6]  }
0x2e: {  	s3 =	simm.s32 @!p0 $0x1082;
	s9 =	sld [smem:$0x3FB7]  }
0x2f: {  	lr =	sadd.s32 s0, s3;
	s0 =	sld [smem:$0x3FAE]  }
0x30: {  	s3 =	sld [smem:$0x3FB1]  }
0x31: {  	[smem:$0x3FBA] =	sst s10  }
0x32: {  	s10 =	sld [smem:$0x3FB8];
	_ =	sdelay $0x3  }
0x33: {  	p0 =	seq.s32 s10, $0x1;
	s10 =	sld [smem:$0x3FBA];
	_ =	sdelay $0x3  }
0x34: {  	[smem:$0x3FBA] =	sst s10  }
0x35: {  	s10 =	sld [smem:$0x3FB9];
	_ =	sdelay $0x3  }
0x36: {  	p1 =	seq.s32 s10, $0x1;
	s10 =	sld [smem:$0x3FBA];
	_ =	sdelay $0x3  }
0x37: {  	[smem:$0x3FBA] =	sst s10  }
0x38: {  	s10 =	sld [smem:$0x3FBB]  }
0x39: {  	_ = 	snop;
	(pc) =	sbr.ind lr, $3  }
0x3a: {  	_ = 	snop  }
0x3b: {  	_ = 	snop  }
0x3c: {  	p2 =	seq.s32 s10, $0x1;
	s10 =	sld [smem:$0x3FBA]  }
0x3d: {  	_ =	shalt  }
0x3e: {  	_ =	shalt  }
0x3f: {  	_ =	shalt  }
0x40: {  	_ =	shalt  }
0x41: {  	_ =	shalt  }
0x42: {  	_ =	shalt  }
0x43: {  	_ =	shalt  }
0x44: {  	_ =	shalt  }
0x45: {  	_ =	shalt  }
0x46: {  	_ =	shalt  }
0x47: {  	_ =	shalt  }
0x48: {  	_ =	shalt  }
0x49: {  	_ =	shalt  }
0x4a: {  	_ =	shalt  }
0x4b: {  	_ =	shalt  }
0x4c: {  	_ =	shalt  }
0x4d: {  	_ =	shalt  }
0x4e: {  	_ =	shalt  }
0x4f: {  	_ =	shalt  }
0x50: {  	_ =	shalt  }
0x51: {  	_ =	shalt  }
0x52: {  	_ =	shalt  }
0x53: {  	_ =	shalt  }
0x54: {  	_ =	shalt  }
0x55: {  	_ =	shalt  }
0x56: {  	_ =	shalt  }
0x57: {  	_ =	shalt  }
0x58: {  	_ =	shalt  }
0x59: {  	_ =	shalt  }
0x5a: {  	_ =	shalt  }
0x5b: {  	_ =	shalt  }
0x5c: {  	_ =	shalt  }
0x5d: {  	_ =	shalt  }
0x5e: {  	_ =	shalt  }
0x5f: {  	_ =	shalt  }
0x60: {  	_ =	shalt  }
0x61: {  	_ =	shalt  }
0x62: {  	_ =	shalt  }
0x63: {  	_ =	shalt  }
0x64: {  	_ =	shalt  }
0x65: {  	_ =	shalt  }
0x66: {  	_ =	shalt  }
0x67: {  	_ =	shalt  }
0x68: {  	_ =	shalt  }
0x69: {  	_ =	shalt  }
0x6a: {  	_ =	shalt  }
0x6b: {  	_ =	shalt  }
0x6c: {  	_ =	shalt  }
0x6d: {  	_ =	shalt  }
0x6e: {  	_ =	shalt  }
0x6f: {  	_ =	shalt  }
0x70: {  	_ =	shalt  }
0x71: {  	_ =	shalt  }
0x72: {  	_ =	shalt  }
0x73: {  	_ =	shalt  }
0x74: {  	_ =	shalt  }
0x75: {  	_ =	shalt  }
0x76: {  	_ =	shalt  }
0x77: {  	_ =	shalt  }
0x78: {  	_ =	shalt  }
0x79: {  	_ =	shalt  }
0x7a: {  	_ =	shalt  }
0x7b: {  	_ =	shalt  }
0x7c: {  	_ =	shalt  }
0x7d: {  	_ =	shalt  }
0x7e: {  	_ =	shalt  }
0x7f: {  	_ =	shalt  }
0x80: {  	_ =	shalt  }
0x81: {  	_ =	shalt  }
0x82: {  	_ =	shalt  }
0x83: {  	_ =	shalt  }
0x84: {  	_ =	shalt  }
0x85: {  	_ =	shalt  }
0x86: {  	_ =	shalt  }
0x87: {  	_ =	shalt  }
.Lfunc_end0:
.L_simem_size_0:
called_computation_lowered:
.L_overlay_start_0:
0x88: {  	s2 =	sld [smem:$0x3FD9]  }
0x89: {  	s3 =	sld [smem:$0x3FFE];
	_ =	sdelay $0x1  }
0x8a: {  	s1 =	srdreg.scid  }
0x8b: {  	s0 =	sand.u32 $0x1, s1  }
0x8c: {  	s18 =	sshll.u32 s0, $0xA;
	s2 =	sadd.s32 s3, s2  }
0x8d: {  	s2 =	sadd.s32 s2, s18  }
0x8e: {  	[smem:$0x3FC6] =	sst s2  }
0x8f: {  	_ = 	snop  }
0x90: {  	s2 =	sld [smem:$0x3FC9]  }
0x91: {  	s19 =	sld [smem:$0x3FC8]  }
0x92: {  	s4 =	sld [smem:$0x3FD0];
	(tm) =	ssettm $0x1  }
0x93: {  	s5 =	sld [smem:$0x3FFB];
	_ =	sdelay $0x3  }
0x94: {  	_ =	strace s5  }
0x95: {  	s5 =	sld [smem:$0x3FFC];
	_ =	sdelay $0x3  }
0x96: {  	_ =	strace s5  }
0x97: {  	s5 =	sld [smem:$0x3FFD];
	_ =	sdelay $0x3  }
0x98: {  	_ =	strace s5  }
0x99: {  	_ =	strace $0x8FFFFFFF  }
0x9a: {  	s20 =	sld [smem:$0x3FDB];
	_ =	sdelay $0x1  }
0x9b: {  	s6 =	simm.s32 $_scs_section_size  }
0x9c: {  	s7 =	simm.s32 $_size__tile_overlayer_lowered;
	s8 =	simm.s32 $_tile_overlayer_lowered  }
0x9d: {  	s23 =	simm.s32 $0x1BFF;
	s22 =	sshll.u32 s8, $0x1;
	s5 =	sadd.s32 s6, s20  }
0x9e: {  	s9 =	simm.s32 $0x0;
	s21 =	sshll.u32 s7, $0x1;
	s7 =	sadd.s32 s22, s5  }
0x9f: {  	[timem:s9], [sflag:s23] =	dma.local [hbm:s7], s21  }
0xa0: {  	_ =	swait.ge [sflag:s23], s21  }
0xa1: {  	s6 =	ssub.s32 $0x0, s21;
	[sflag:s23] =	ssyncset.done $0x0  }
0xa2: {  	[sflag:s23] =	ssyncadd.s32 s6;
	_ =	sdelay $0x1  }
0xa3: {  	s24 =	simm.s32 $0x1B8B  }
0xa4: {  	_ =	swait.ge [sflag:s24], $0x1  }
0xa5: {  	[sflag:s24] =	ssyncset.done $0x0  }
0xa6: {  	s25 =	simm.s32 $0x1B8E;
	[sflag:s24] =	ssyncadd.s32 $0xFFFFFFFF  }
0xa7: {  	s26 =	simm.s32 $execute0_lowered;
	[smem:$0x3FD2] =	sst s25  }
0xa8: {  	s6 =	sshll.u32 s26, $0x1;
	_ =	strace $0x80000046;
	[dreg:$0x1] =	wrdreg $0xFFFFFFFF  }
0xa9: {  	s28 =	simm.s32 $_size_execute0_lowered;
	s5 =	sadd.s32 s5, s6;
	[dreg:$0x0] =	wrdreg $0x0  }
0xaa: {  	s6 =	sshll.u32 s28, $0x1;
	[dreg:$0x2] =	wrdreg s5  }
0xab: {  	[dreg:$0x3] =	wrdreg s6  }
0xac: {  	[dreg:$0x4] =	wrdreg $0xC0  }
0xad: {  	_ =	task [dreg:s9], $0x5FFFF  }
0xae: {  	[dreg:$0x1] =	wrdreg $0xFFFFFFFF  }
0xaf: {  	[dreg:$0x0] =	wrdreg $0x60  }
0xb0: {  	[dreg:$0x2] =	wrdreg s19  }
0xb1: {  	[dreg:$0x3] =	wrdreg s2  }
0xb2: {  	[dreg:$0x4] =	wrdreg s4  }
0xb3: {  	[dreg:$0x5] =	wrdreg $0x9  }
0xb4: {  	_ =	task.clear_ibuf [dreg:s9], $0x6FFFF;
	_ =	strace $0x90000046  }
0xb5: {  	s29 =	simm.s32 $0x9;
	_ =	strace $0x80000048  }
0xb6: {  	_ =	swait.ge [sflag:s29], $0x1  }
0xb7: {  	[sflag:s29] =	ssyncadd.s32 $0xFFFFFFFF  }
0xb8: {  	_ =	strace $0x90000048  }
0xb9: {  	_ =	sfence  }
0xba: {  	s30 =	sld [smem:$0x0];
	_ =	sdelay $0x2  }
0xbb: {  	s31 =	sshll.u32 s1, $0xD;
	s1 =	sshrl.u32 s1, $0x2  }
0xbc: {  	s3 =	sand.u32 $0x4000, s31;
	s1 =	sadd.s32 s1, s30  }
0xbd: {  	s0 =	sor.u32 s3, s0;
	s1 =	sshll.u32 s1, $0x11  }
0xbe: {  	s0 =	sor.u32 s1, s0  }
0xbf: {  	s0 =	sadd.s32 $0x8F2B, s0  }
0xc0: {  	[sflag:s0] =	ssyncadd.remote.s32 $0x1  }
0xc1: {  	_ =	sfence.sel $0xFFFF  }
0xc2: {  	[dreg:$0x0] =	wrdreg $0xFFFFFFFF;
	(pc) =	sbr.abs _section_cstart, $3  }
0xc3: {  	[dreg:$0x1] =	wrdreg $0xFFFFFFFF  }
0xc4: {  	_ =	task.clear_ibuf [dreg:s9], $0x2FFFF;
	_ =	strace $0x9FFFFFFF  }
0xc5: {  	(tm) =	ssettm $0x7FFFFFFF  }
tec
execute0_lowered:
.L_overlay_start_1:
0x0: {  	(tag) =	ssettag $0x1  }
0x1: {  	s1 =	rddreg [dreg:$0x0]  }
0x2: {  	s0 =	rddreg [dreg:$0x1]  }
0x3: {  	s3 =	rddreg [dreg:$0x2]  }
0x4: {  	s2 =	srdreg.scid;
	s10 =	stileid.u32  }
0x5: {  	s4 =	simm.s32 $0x0;
	s29 =	simm.s32 $0xDC00;
	s30 =	simm.s32 $0x1  }
0x6: {  	s31 =	simm.s32 $0x2;
	s28 =	simm.s32 $0x7;
	s2 =	sand.u32 $0x1, s2  }
0x7: {  	s6 =	sshll.u32 s10, $0x7;
	[smem:$0x7FF] =	sst s4;
	s21 =	sshll.u32 s10, $0xE  }
0x8: {  	s5 =	sshll.u32 s2, $0xB;
	s7 =	ssub.s32 $0x2, s2;
	_ =	strace $0x80000047  }
0x9: {  	s2 =	sshll.u32 s2, $0x12;
	s5 =	sor.u32 s6, s5;
	s17 =	sshrl.u32 s7, $0x1  }
0xa: {  	s23 =	sor.u32 s21, s2;
	s21 =	simm.s32 $0x9;
	s2 =	simm.s32 $0x0  }
0xb: {  	s8 =	sadd.s32 s0, s5;
	s18 =	ssub.s32 s7, s17;
	s5 =	sshll.u32 s5, $0x4  }
0xc: {  	s7 =	sadd.s32 $0x10000, s3;
	s25 =	sor.u32 $0x380000, s23;
	s10 =	sor.u32 $0x200000, s23  }
0xd: {  	s23 =	simm.s32 $0x1C00;
	[dreg:$0x4] =	wrdreg s8;
	s19 =	sadd.s32 $0x6000, s8  }
0xe: {  	s8 =	sadd.s32 $0x20000, s3;
	s9 =	sadd.s32 s3, s5;
	s0 =	smax.u32 s18, $0x1  }
0xf: {  	s24 =	sadd.s32 s5, s7;
	s26 =	sshrl.u32 s25, $0x3;
	s18 =	simm.s32 $0x3  }
0x10: {  	s25 =	simm.s32 $0x4;
	[dreg:$0x5] =	wrdreg s19;
	s20 =	sadd.s32 $0x300000, s9  }
.Ltmp0:
0x11: {  	s22 =	sadd.s32 $0x310000, s9;
	[dreg:$0x8] =	wrdreg s0;
	(pc) =	sbr.rel .LBB2_1-.Ltmp0, $4  }
0x12: {  	[dreg:$0x9] =	wrdreg s24;
	s14 =	sadd.s32 s5, s8;
	s15 =	sadd.s32 $0x30000, s9  }
0x13: {  	s6 =	sadd.s32 s26, s3;
	s24 =	simm.s32 $0x5C00;
	s26 =	simm.s32 $0x9C00  }
0x14: {  	s0 =	simm.s32 $0x5;
	s19 =	simm.s32 $0x6;
	[dreg:$0x6] =	wrdreg s20  }
0x15: {  	[dreg:$0x7] =	wrdreg s22;
	s22 =	simm.s32 $0x80;
	s20 =	simm.s32 $0x8  }
.LBB2_4:
0x16: {  	_ =	swait.ge [sflag:s30], $0x4000  }
0x17: {  	[sflag:s30] =	ssyncset.done $0x0  }
0x18: {  	s5 =	rddreg [dreg:$0x6];
	[sflag:s30] =	ssyncadd.s32 $0xFFFFC000  }
0x19: {  	[hbm4b:s5+s4] =	stream.linear.scatter [tilespmem:s23], [sflag:$0x5], $0x4000, $0x38;
	[tilespmem:$0x11C00] =	vst v63  }
0x1a: {  	_ =	swait.ge [sflag:s28], $0x4000  }
0x1b: {  	[sflag:s28] =	ssyncset.done $0x0  }
0x1c: {  	[sflag:s28] =	ssyncadd.s32 $0xFFFFC000  }
0x1d: {  	_ =	swait.ge [sflag:s20], $0x4000  }
0x1e: {  	[sflag:s20] =	ssyncset.done $0x0  }
0x1f: {  	[sflag:s20] =	ssyncadd.s32 $0xFFFFC000  }
0x20: {  	_ =	swait.ge [sflag:s31], $0x4000  }
0x21: {  	[sflag:s31] =	ssyncset.done $0x0  }
0x22: {  	s16 =	rddreg [dreg:$0x7];
	[sflag:s31] =	ssyncadd.s32 $0xFFFFC000  }
0x23: {  	[hbm4b:s16+s4] =	stream.linear.scatter [tilespmem:s24], [sflag:$0x6], $0x4000, $0x38;
	[tilespmem:$0x11C00] =	vst v63  }
0x24: {  	_ =	swait.ge [sflag:s0], $0x4000  }
0x25: {  	[sflag:s0] =	ssyncset.done $0x0  }
0x26: {  	[sflag:s0] =	ssyncadd.s32 $0xFFFFC000  }
0x27: {  	_ =	swait.ge [sflag:s19], $0x4000  }
0x28: {  	s2 =	sadd.s32 $0x1, s2;
	s17 =	rddreg [dreg:$0x8]  }
0x29: {  	p0 =	sne.s32 s2, s17  }
.Ltmp1:
0x2a: {  	_ = 	snop;
	(pc) =	sbr.rel @!p0 .LBB2_5-.Ltmp1, $3  }
0x2b: {  	_ =	sdelay $0x1  }
0x2c: {  	[sflag:s19] =	ssyncset.done $0x0  }
0x2d: {  	[sflag:s19] =	ssyncadd.s32 $0xFFFFC000  }
.LBB2_1:
0x2e: {  	s5 =	rddreg [dreg:$0x4];
	s11 =	simm.s32 $0x400;
	s12 =	simm.s32 $0x8000  }
0x2f: {  	[tilespmem:s4], [sflag:$0x9] =	stream.strided.gather [hbm4b:s5+s11], $0x1800, s12, s11, $0x38;
	[tilespmem:$0x11C00] =	vst v63  }
0x30: {  	s13 =	rddreg [dreg:$0x5];
	s16 =	simm.s32 $0x1800  }
0x31: {  	[tilespmem:s16], [sflag:$0x9] =	stream.linear.gather [hbm4b:s13+s4], $0x100, $0x38;
	[tilespmem:$0x11C00] =	vst v63  }
0x32: {  	_ =	swait.ge [sflag:s21], $0x1900  }
0x33: {  	[sflag:s21] =	ssyncset.done $0x0  }
0x34: {  	[sflag:s21] =	ssyncadd.s32 $0xFFFFE700  }
0x35: {  	[tilespmem:s23], [sflag:$0x1] =	stream.indirect.gather [hbm4b:s1+s22], $0x80, s4, s22, $0xb8;
	[tilespmem:$0x11C00] =	vst v63  }
0x36: {  	_ = 	snop  }
0x37: {  	[tilespmem:s24], [sflag:$0x2] =	stream.indirect.gather [hbm4b:s1+s22], $0x80, s22, s22, $0xb8;
	[tilespmem:$0x11C00] =	vst v63  }
0x38: {  	s17 =	simm.s32 $0x100  }
0x39: {  	[tilespmem:s26], [sflag:$0x3] =	stream.indirect.gather [hbm4b:s1+s22], $0x80, s17, s22, $0xb8;
	[tilespmem:$0x11C00] =	vst v63  }
0x3a: {  	s11 =	simm.s32 $0x180  }
0x3b: {  	[tilespmem:s29], [sflag:$0x4] =	stream.indirect.gather [hbm4b:s1+s22], $0x80, s11, s22, $0xb8;
	[tilespmem:$0x11C00] =	vst v63  }
0x3c: {  	_ =	swait.ge [sflag:s30], $0x4000  }
0x3d: {  	[sflag:s30] =	ssyncset.done $0x0  }
0x3e: {  	[sflag:s30] =	ssyncadd.s32 $0xFFFFC000  }
0x3f: {  	[hbm4b:s9+s4] =	stream.linear.scatter [tilespmem:s23], [sflag:$0x5], $0x4000, $0x38;
	[tilespmem:$0x11C00] =	vst v63  }
0x40: {  	_ =	swait.ge [sflag:s31], $0x4000  }
0x41: {  	[sflag:s31] =	ssyncset.done $0x0  }
0x42: {  	s12 =	rddreg [dreg:$0x9];
	[sflag:s31] =	ssyncadd.s32 $0xFFFFC000  }
0x43: {  	[hbm4b:s12+s4] =	stream.linear.scatter [tilespmem:s24], [sflag:$0x6], $0x4000, $0x38;
	[tilespmem:$0x11C00] =	vst v63  }
0x44: {  	_ =	swait.ge [sflag:s0], $0x4000  }
0x45: {  	[sflag:s0] =	ssyncset.done $0x0  }
0x46: {  	s13 =	simm.s32 $0x200;
	[sflag:s0] =	ssyncadd.s32 $0xFFFFC000  }
0x47: {  	[tilespmem:s23], [sflag:$0x1] =	stream.indirect.gather [hbm4b:s1+s22], $0x80, s13, s22, $0xb8;
	[tilespmem:$0x11C00] =	vst v63  }
0x48: {  	_ =	swait.ge [sflag:s18], $0x4000  }
0x49: {  	[sflag:s18] =	ssyncset.done $0x0  }
0x4a: {  	[sflag:s18] =	ssyncadd.s32 $0xFFFFC000  }
0x4b: {  	[hbm4b:s14+s4] =	stream.linear.scatter [tilespmem:s26], [sflag:$0x7], $0x4000, $0x38;
	[tilespmem:$0x11C00] =	vst v63  }
0x4c: {  	_ =	swait.ge [sflag:s19], $0x4000  }
0x4d: {  	[sflag:s19] =	ssyncset.done $0x0  }
0x4e: {  	s16 =	simm.s32 $0x280;
	[sflag:s19] =	ssyncadd.s32 $0xFFFFC000  }
0x4f: {  	[tilespmem:s24], [sflag:$0x2] =	stream.indirect.gather [hbm4b:s1+s22], $0x80, s16, s22, $0xb8;
	[tilespmem:$0x11C00] =	vst v63  }
0x50: {  	_ =	swait.ge [sflag:s25], $0x4000  }
0x51: {  	[sflag:s25] =	ssyncset.done $0x0  }
0x52: {  	[sflag:s25] =	ssyncadd.s32 $0xFFFFC000  }
0x53: {  	[hbm4b:s15+s4] =	stream.linear.scatter [tilespmem:s29], [sflag:$0x8], $0x4000, $0x38;
	[tilespmem:$0x11C00] =	vst v63  }
0x54: {  	_ =	swait.ge [sflag:s28], $0x4000  }
0x55: {  	[sflag:s28] =	ssyncset.done $0x0  }
0x56: {  	s17 =	simm.s32 $0x300;
	[sflag:s28] =	ssyncadd.s32 $0xFFFFC000  }
0x57: {  	[tilespmem:s26], [sflag:$0x3] =	stream.indirect.gather [hbm4b:s1+s22], $0x80, s17, s22, $0xb8;
	[tilespmem:$0x11C00] =	vst v63  }
0x58: {  	s5 =	simm.s32 $0x0;
	s16 =	smov.u32 s10;
	s17 =	smov.u32 s6  }
.LBB2_2:
0x59: {  	_ =	swait.ge [sflag:s30], $0x4000  }
0x5a: {  	s12 =	sshrl.u32 s16, $0x3;
	[sflag:s30] =	ssyncset.done $0x0  }
0x5b: {  	s11 =	sadd.s32 s3, s12;
	[sflag:s30] =	ssyncadd.s32 $0xFFFFC000  }
0x5c: {  	[hbm4b:s11+s4] =	stream.linear.scatter [tilespmem:s23], [sflag:$0x5], $0x4000, $0x38;
	[tilespmem:$0x11C00] =	vst v63  }
0x5d: {  	_ =	swait.ge [sflag:s20], $0x4000  }
0x5e: {  	s11 =	sshra.s32 s5, $0x2;
	[sflag:s20] =	ssyncset.done $0x0  }
0x5f: {  	s13 =	sadd.s32 $0x380, s11;
	[sflag:s20] =	ssyncadd.s32 $0xFFFFC000  }
0x60: {  	[tilespmem:s29], [sflag:$0x4] =	stream.indirect.gather [hbm4b:s1+s22], $0x80, s13, s22, $0xb8;
	[tilespmem:$0x11C00] =	vst v63  }
0x61: {  	_ =	swait.ge [sflag:s31], $0x4000  }
0x62: {  	[sflag:s31] =	ssyncset.done $0x0  }
0x63: {  	s13 =	sadd.s32 s12, s7;
	[sflag:s31] =	ssyncadd.s32 $0xFFFFC000  }
0x64: {  	[hbm4b:s13+s4] =	stream.linear.scatter [tilespmem:s24], [sflag:$0x6], $0x4000, $0x38;
	[tilespmem:$0x11C00] =	vst v63  }
0x65: {  	_ =	swait.ge [sflag:s0], $0x4000  }
0x66: {  	[sflag:s0] =	ssyncset.done $0x0  }
0x67: {  	s13 =	sadd.s32 $0x400, s11;
	[sflag:s0] =	ssyncadd.s32 $0xFFFFC000  }
0x68: {  	[tilespmem:s23], [sflag:$0x1] =	stream.indirect.gather [hbm4b:s1+s22], $0x80, s13, s22, $0xb8;
	[tilespmem:$0x11C00] =	vst v63  }
0x69: {  	_ =	swait.ge [sflag:s18], $0x4000  }
0x6a: {  	[sflag:s18] =	ssyncset.done $0x0  }
0x6b: {  	s12 =	sadd.s32 s12, s8;
	[sflag:s18] =	ssyncadd.s32 $0xFFFFC000  }
0x6c: {  	[hbm4b:s12+s4] =	stream.linear.scatter [tilespmem:s26], [sflag:$0x7], $0x4000, $0x38;
	[tilespmem:$0x11C00] =	vst v63  }
0x6d: {  	_ =	swait.ge [sflag:s19], $0x4000  }
0x6e: {  	[sflag:s19] =	ssyncset.done $0x0  }
0x6f: {  	p0 =	seq.s32 s5, $0x5000;
	s13 =	sadd.s32 $0x480, s11;
	[sflag:s19] =	ssyncadd.s32 $0xFFFFC000  }
0x70: {  	[tilespmem:s24], [sflag:$0x2] =	stream.indirect.gather [hbm4b:s1+s22], $0x80, s13, s22, $0xb8;
	[tilespmem:$0x11C00] =	vst v63  }
.Ltmp2:
0x71: {  	_ = 	snop;
	(pc) =	sbr.rel @p0 .LBB2_4-.Ltmp2, $4  }
0x72: {  	_ =	swait.ge [sflag:s25], $0x4000  }
0x73: {  	[sflag:s25] =	ssyncset.done $0x0  }
0x74: {  	[sflag:s25] =	ssyncadd.s32 $0xFFFFC000  }
0x75: {  	[hbm4b:s17+s4] =	stream.linear.scatter [tilespmem:s29], [sflag:$0x8], $0x4000, $0x38;
	[tilespmem:$0x11C00] =	vst v63  }
.Ltmp3:
0x76: {  	(pc) =	sbr.rel .LBB2_2-.Ltmp3, $4  }
0x77: {  	_ =	swait.ge [sflag:s28], $0x4000  }
0x78: {  	s11 =	sadd.s32 $0x500, s11;
	s16 =	sadd.s32 $0x200000, s16;
	[sflag:s28] =	ssyncset.done $0x0  }
0x79: {  	s5 =	sadd.s32 $0x800, s5;
	s17 =	sadd.s32 $0x40000, s17;
	[sflag:s28] =	ssyncadd.s32 $0xFFFFC000  }
0x7a: {  	[tilespmem:s26], [sflag:$0x3] =	stream.indirect.gather [hbm4b:s1+s22], $0x80, s11, s22, $0xb8;
	[tilespmem:$0x11C00] =	vst v63  }
.LBB2_5:
0x7b: {  	_ =	sfence.sel $0x180000  }
0x7c: {  	[bflag:$0x0] =	sbarrier.arrive $0xFFFF  }
0x7d: {  	_ =	strace $0x90000047  }
0x7e: {  	s0 =	stileid.u32;
	[bflag:$0x2] =	sbarrier.arrive $0xFFFF  }
0x7f: {  	p0 =	sne.s32 s0, $0x0;
	s0 =	rddreg [dreg:$0x3]  }
0x80: {  	s0 =	sadd.s32 @!p0 $0x100000, s0  }
0x81: {  	[sflag:s0] =	ssyncadd.tile.s32 @!p0 $0x1;
	_ =	shalt  }
.Lfunc_end2:
_tile_overlayer_lowered:
.L_overlay_start_2:
0x82: {  	(tag) =	ssettag $0x2  }
0x83: {  	s0 =	rddreg [dreg:$0x0];
	s2 =	stileid.u32  }
0x84: {  	s1 =	rddreg [dreg:$0x1];
	p0 =	sne.s32 s2, $0x0  }
0x85: {  	s3 =	rddreg [dreg:$0x2];
	[bflag:$0x3] =	sbarrier.arrive $0xFFFF;
	s2 =	simm.s32 @!p0 $0x1C09  }
0x86: {  	[timem:s3], [sflag:s2] =	dma.local @!p0 [hbm:s0], s1  }
0x87: {  	s0 =	simm.s32 @!p0 $0x9  }
0x88: {  	_ =	swait.ge @!p0 [sflag:s0], s1  }
0x89: {  	s1 =	ssub.s32 @!p0 $0x0, s1;
	[sflag:s0] =	ssyncset.done @!p0 $0x0  }
0x8a: {  	[sflag:s0] =	ssyncadd.s32 @!p0 s1  }
0x8b: {  	[bflag:$0x3] =	sbarrier.arrive $0xFFFF  }
0x8c: {  	_ =	shalt  }

</sc_bundles>
